<compile_context>
chip_gen: v7x
topology: tpu7x:2x2x1
jax: 0.10.2.dev20260603
libtpu: 0.0.44.dev20260713+nightly
codegen_flags: <defaults>
</compile_context>

<pallas_src>
import functools

import jax
import jax.numpy as jnp
from jax import lax
from jax.experimental import pallas as pl
from jax.experimental.pallas import tpu as pltpu
from jax.experimental.pallas import tpu_sc as plsc

NUM_CORES = 2
NUM_SUBCORES = 16
NUM_WORKERS = NUM_CORES * NUM_SUBCORES
NBUF = 2


@functools.partial(jax.jit, static_argnums=(2,))
def _gather_rows(token_ids, weights, D):
    N, S = token_ids.shape
    rows_w = N // NUM_WORKERS
    nsteps = S
    assert nsteps % NBUF == 0 and nsteps >= 2 * NBUF
    mesh = plsc.VectorSubcoreMesh(core_axis_name="c", subcore_axis_name="s")

    @functools.partial(
        pl.kernel,
        out_type=jax.ShapeDtypeStruct((N, S, D), jnp.float32),
        mesh=mesh,
        scratch_types=[
            pltpu.VMEM((rows_w, S), jnp.int32),
            pltpu.VMEM((S, rows_w), jnp.int32),
            pltpu.VMEM((NBUF, rows_w, D), jnp.float32),
            [pltpu.SemaphoreType.DMA] * NBUF,
            [pltpu.SemaphoreType.DMA] * NBUF,
        ],
        compiler_params=pltpu.CompilerParams(
            use_tc_tiling_on_sc=False, needs_layout_passes=False),
    )
    def gather_kernel(ids_hbm, table_hbm, out_hbm, idx_v, idx_t, rows_v,
                      gsem, wsem):
        wid = lax.axis_index("s") * NUM_CORES + lax.axis_index("c")
        base = wid * rows_w
        pltpu.sync_copy(ids_hbm.at[pl.ds(base, rows_w), :], idx_v)

        lanes = lax.iota(jnp.int32, 16)

        def transpose_s(s, carry):
            svec = jnp.full((16,), s, jnp.int32)

            def transpose_c(g, carry2):
                c = g * 16
                vals = plsc.load_gather(idx_v, [c + lanes, svec])
                idx_t[s, pl.ds(c, 16)] = vals
                return carry2

            lax.fori_loop(0, rows_w // 16, transpose_c, 0, unroll=4)
            return carry

        lax.fori_loop(0, S, transpose_s, 0)

        def start_gather(g, b):
            pltpu.async_copy(
                table_hbm.at[idx_t.at[g]], rows_v.at[b], gsem[b])

        def start_write(g, b):
            pltpu.async_copy(
                rows_v.at[b], out_hbm.at[pl.ds(base, rows_w), g], wsem[b])

        def wait_write(b):
            pltpu.make_async_copy(
                rows_v.at[b], out_hbm.at[pl.ds(base, rows_w), 0],
                wsem[b]).wait()

        def wait_gather(b):
            pltpu.make_async_copy(
                table_hbm.at[idx_t.at[0]], rows_v.at[b], gsem[b]).wait()

        for b in range(NBUF - 1):
            start_gather(b, b)

        def group(i, carry):
            for j in range(NBUF):
                g = i * NBUF + j
                nslot = (j - 1) % NBUF

                @pl.when((g + NBUF - 1 < nsteps) & (g >= 1))
                def _():
                    wait_write(nslot)

                @pl.when(g + NBUF - 1 < nsteps)
                def _():
                    start_gather(g + NBUF - 1, nslot)

                wait_gather(j)
                start_write(g, j)
            return carry

        lax.fori_loop(0, nsteps // NBUF, group, 0)
        for b in range(NBUF):
            wait_write(b)

    return gather_kernel(token_ids, weights)


def kernel(token_ids, weights):
    if token_ids.dtype != jnp.int32:
        token_ids = token_ids.astype(jnp.int32)
    return _gather_rows(token_ids, weights, weights.shape[1])

# --- scband reference (transcript-rebuilt; emitter-appended) ---
"""Pipeline reference for scband-embedding-16569983828396 (READ-ONLY COPY).

The authoritative reference and input builder live on the scoring server;
editing this copy changes nothing except your own understanding.
"""

import jax, jax.numpy as jnp
import numpy as np

NUM_EMBEDDINGS = 1000000
EMBEDDING_DIM = 64

def setup_inputs(seed: int = 0) -> dict:
    key = jax.random.key(seed)
    k1, k2 = jax.random.split(key)
    token_ids = jax.random.randint(k1, (16384, 50), 0, NUM_EMBEDDINGS, dtype=jnp.int64 if jax.config.jax_enable_x64 else jnp.int32)
    # truncated normal init in [-3, 3], mean 0, std 1 (matches nn.init.trunc_normal_)
    weights = jax.random.truncated_normal(k2, -3.0, 3.0, (NUM_EMBEDDINGS, EMBEDDING_DIM), dtype=jnp.float32)
    return {"token_ids": token_ids, "weights": weights}

def reference(token_ids, weights):
    flat = token_ids.reshape(-1)
    gathered = jnp.take(weights, flat, axis=0)
    return gathered.reshape(*token_ids.shape, weights.shape[-1])

if __name__ == "__main__":
    import jax
    _d = setup_inputs()
    print(jax.jit(kernel)(*tuple(_d.values())))

</pallas_src>

<mosaic_0001>
#map = affine_map<(d0, d1) -> (0, 0)>
#map1 = affine_map<(d0, d1) -> (0, 0, 0)>
module attributes {stable_mosaic.version = 14 : i64} {
  func.func @gather_kernel(%arg0: i32, %arg1: i32, %arg2: memref<16384x50xi32, #tpu.memory_space<hbm>>, %arg3: memref<1000000x64xf32, #tpu.memory_space<hbm>>, %arg4: memref<16384x50x64xf32, #tpu.memory_space<hbm>>, %arg5: memref<512x50xi32, #tpu.memory_space<vmem>>, %arg6: memref<50x512xi32, #tpu.memory_space<vmem>>, %arg7: memref<2x512x64xf32, #tpu.memory_space<vmem>>, %arg8: memref<!tpu.dma_semaphore, #tpu.memory_space<semaphore_mem>>, %arg9: memref<!tpu.dma_semaphore, #tpu.memory_space<semaphore_mem>>, %arg10: memref<!tpu.dma_semaphore, #tpu.memory_space<semaphore_mem>>, %arg11: memref<!tpu.dma_semaphore, #tpu.memory_space<semaphore_mem>>) attributes {dimension_semantics = [#tpu.dimension_semantics<core_parallel>, #tpu.dimension_semantics<subcore_parallel>], iteration_bounds = array<i64: 2, 16>, scalar_prefetch = 0 : i64, scratch_operands = 7 : i64, tpu.core_type = #tpu.core_type<sc_vector_subcore>, window_params = [{transform_indices = #map}, {transform_indices = #map}, {transform_indices = #map1}]} {
    %mul3A = arith.constant 2 : i32
    %mul3A_0 = arith.muli %arg1, %mul3A : i32
    %add3A = arith.addi %mul3A_0, %arg0 : i32
    %mul3A_1 = arith.constant 512 : i32
    %mul3A_2 = arith.muli %add3A, %mul3A_1 : i32
    "tpu.region"() ({
      %run_scoped3A = tpu.sem_alloc : memref<!tpu.dma_semaphore, #tpu.memory_space<semaphore_mem>>
      %dma_start3A_56 = arith.constant 0 : i32
      %dma_start3A_57 = tpu.memref_slice %arg2[%mul3A_2, %dma_start3A_56] : memref<16384x50xi32, #tpu.memory_space<hbm>> -> memref<512x50xi32, #tpu.memory_space<hbm>>
      %dma_start3A_58 = arith.constant 0 : i32
      %dma_start3A_59 = tpu.memref_slice %arg2[%mul3A_2, %dma_start3A_58] : memref<16384x50xi32, #tpu.memory_space<hbm>> -> memref<512x50xi32, #tpu.memory_space<hbm>>
      tpu.enqueue_dma source(%dma_start3A_59 : memref<512x50xi32, #tpu.memory_space<hbm>>) target(%arg5 : memref<512x50xi32, #tpu.memory_space<vmem>>) target_semaphore(%run_scoped3A : memref<!tpu.dma_semaphore, #tpu.memory_space<semaphore_mem>>)
      %dma_wait3A_60 = arith.constant 0 : i32
      %dma_wait3A_61 = tpu.memref_slice %arg2[%mul3A_2, %dma_wait3A_60] : memref<16384x50xi32, #tpu.memory_space<hbm>> -> memref<512x50xi32, #tpu.memory_space<hbm>>
      %dma_wait3A_62 = arith.constant 0 : i32
      %dma_wait3A_63 = tpu.memref_slice %arg2[%mul3A_2, %dma_wait3A_62] : memref<16384x50xi32, #tpu.memory_space<hbm>> -> memref<512x50xi32, #tpu.memory_space<hbm>>
      tpu.wait_dma2 semaphore(%run_scoped3A : memref<!tpu.dma_semaphore, #tpu.memory_space<semaphore_mem>>) src(%dma_wait3A_63 : memref<512x50xi32, #tpu.memory_space<hbm>>) dst(%arg5 : memref<512x50xi32, #tpu.memory_space<vmem>>)
      tpu.yield
    }) : () -> ()
    %iota3A = tpu.iota {dimensions = array<i32: 0>} : vector<16xi32>
    %scan3A = arith.constant 0 : i32
    %scan3A_3 = arith.constant 0 : i32
    %scan3A_4 = arith.constant 50 : i32
    %scan3A_5 = arith.addi %scan3A_3, %scan3A_4 : i32
    %scan3A_6 = arith.constant 1 : i32
    scf.for %scan3A_56 = %scan3A_3 to %scan3A_5 step %scan3A_6  : i32 {
      %broadcast_in_dim3A = vector.broadcast %scan3A_56 : i32 to vector<16xi32>
      %scan3A_57 = arith.constant 0 : i32
      %scan3A_58 = arith.constant 0 : i32
      %scan3A_59 = arith.constant 32 : i32
      %scan3A_60 = arith.addi %scan3A_58, %scan3A_59 : i32
      %scan3A_61 = arith.constant 4 : i32
      scf.for %scan3A_63 = %scan3A_58 to %scan3A_60 step %scan3A_61  : i32 {
        %mul3A_64 = arith.constant 16 : i32
        %mul3A_65 = arith.muli %scan3A_63, %mul3A_64 : i32
        %add3A_66 = vector.broadcast %mul3A_65 : i32 to vector<16xi32>
        %add3A_67 = arith.addi %add3A_66, %iota3A : vector<16xi32>
        %gather3A = tpu.vector_load_idx %arg5[%add3A_67, %broadcast_in_dim3A] : memref<512x50xi32, #tpu.memory_space<vmem>>[vector<16xi32>, vector<16xi32>], vector<16xi32>,
        %swap3A = arith.index_cast %scan3A_56 : i32 to index
        %swap3A_68 = arith.index_cast %mul3A_65 : i32 to index
        %swap3A_69 = tpu.vector_load %arg6[%swap3A, %swap3A_68] {strides = array<i32>} : memref<50x512xi32, #tpu.memory_space<vmem>>, vector<16xi32>,
        tpu.vector_store %arg6[%swap3A, %swap3A_68], %gather3A {strides = array<i32>} : memref<50x512xi32, #tpu.memory_space<vmem>>, vector<16xi32>,
        %scan3A_70 = arith.constant 1 : i32
        %scan3A_71 = arith.addi %scan3A_63, %scan3A_70 : i32
        %mul3A_72 = arith.constant 16 : i32
        %mul3A_73 = arith.muli %scan3A_71, %mul3A_72 : i32
        %add3A_74 = vector.broadcast %mul3A_73 : i32 to vector<16xi32>
        %add3A_75 = arith.addi %add3A_74, %iota3A : vector<16xi32>
        %gather3A_76 = tpu.vector_load_idx %arg5[%add3A_75, %broadcast_in_dim3A] : memref<512x50xi32, #tpu.memory_space<vmem>>[vector<16xi32>, vector<16xi32>], vector<16xi32>,
        %swap3A_77 = arith.index_cast %scan3A_56 : i32 to index
        %swap3A_78 = arith.index_cast %mul3A_73 : i32 to index
        %swap3A_79 = tpu.vector_load %arg6[%swap3A_77, %swap3A_78] {strides = array<i32>} : memref<50x512xi32, #tpu.memory_space<vmem>>, vector<16xi32>,
        tpu.vector_store %arg6[%swap3A_77, %swap3A_78], %gather3A_76 {strides = array<i32>} : memref<50x512xi32, #tpu.memory_space<vmem>>, vector<16xi32>,
        %scan3A_80 = arith.constant 2 : i32
        %scan3A_81 = arith.addi %scan3A_63, %scan3A_80 : i32
        %mul3A_82 = arith.constant 16 : i32
        %mul3A_83 = arith.muli %scan3A_81, %mul3A_82 : i32
        %add3A_84 = vector.broadcast %mul3A_83 : i32 to vector<16xi32>
        %add3A_85 = arith.addi %add3A_84, %iota3A : vector<16xi32>
        %gather3A_86 = tpu.vector_load_idx %arg5[%add3A_85, %broadcast_in_dim3A] : memref<512x50xi32, #tpu.memory_space<vmem>>[vector<16xi32>, vector<16xi32>], vector<16xi32>,
        %swap3A_87 = arith.index_cast %scan3A_56 : i32 to index
        %swap3A_88 = arith.index_cast %mul3A_83 : i32 to index
        %swap3A_89 = tpu.vector_load %arg6[%swap3A_87, %swap3A_88] {strides = array<i32>} : memref<50x512xi32, #tpu.memory_space<vmem>>, vector<16xi32>,
        tpu.vector_store %arg6[%swap3A_87, %swap3A_88], %gather3A_86 {strides = array<i32>} : memref<50x512xi32, #tpu.memory_space<vmem>>, vector<16xi32>,
        %scan3A_90 = arith.constant 3 : i32
        %scan3A_91 = arith.addi %scan3A_63, %scan3A_90 : i32
        %mul3A_92 = arith.constant 16 : i32
        %mul3A_93 = arith.muli %scan3A_91, %mul3A_92 : i32
        %add3A_94 = vector.broadcast %mul3A_93 : i32 to vector<16xi32>
        %add3A_95 = arith.addi %add3A_94, %iota3A : vector<16xi32>
        %gather3A_96 = tpu.vector_load_idx %arg5[%add3A_95, %broadcast_in_dim3A] : memref<512x50xi32, #tpu.memory_space<vmem>>[vector<16xi32>, vector<16xi32>], vector<16xi32>,
        %swap3A_97 = arith.index_cast %scan3A_56 : i32 to index
        %swap3A_98 = arith.index_cast %mul3A_93 : i32 to index
        %swap3A_99 = tpu.vector_load %arg6[%swap3A_97, %swap3A_98] {strides = array<i32>} : memref<50x512xi32, #tpu.memory_space<vmem>>, vector<16xi32>,
        tpu.vector_store %arg6[%swap3A_97, %swap3A_98], %gather3A_96 {strides = array<i32>} : memref<50x512xi32, #tpu.memory_space<vmem>>, vector<16xi32>,
      }
      %scan3A_62 = arith.constant 32 : i32
    }
    %scan3A_7 = arith.constant 50 : i32
    %dma_start3A = arith.constant 0 : i32
    %dma_start3A_8 = arith.constant 0 : i32
    %dma_start3A_9 = arith.constant 0 : i32
    %dma_start3A_10 = arith.constant 0 : i32
    %dma_start3A_11 = tpu.memref_slice %arg7[%dma_start3A_8, %dma_start3A_9, %dma_start3A_10] : memref<2x512x64xf32, #tpu.memory_space<vmem>> -> memref<1x512x64xf32, #tpu.memory_space<vmem>>
    %dma_start3A_12 = tpu.memref_squeeze %dma_start3A_11 : memref<1x512x64xf32, #tpu.memory_space<vmem>> -> memref<512x64xf32, #tpu.memory_space<vmem>>
    %dma_start3A_13 = arith.constant 0 : i32
    %dma_start3A_14 = tpu.memref_slice %arg6[%dma_start3A, %dma_start3A_13] : memref<50x512xi32, #tpu.memory_space<vmem>> -> memref<1x512xi32, #tpu.memory_space<vmem>>
    %dma_start3A_15 = tpu.memref_squeeze %dma_start3A_14 : memref<1x512xi32, #tpu.memory_space<vmem>> -> memref<512xi32, #tpu.memory_space<vmem>>
    %dma_start3A_16 = arith.constant 0 : i32
    %dma_start3A_17 = arith.constant 0 : i32
    %dma_start3A_18 = tpu.memref_slice %arg3[%dma_start3A_16, %dma_start3A_17] : memref<1000000x64xf32, #tpu.memory_space<hbm>> -> memref<1000000x64xf32, #tpu.memory_space<hbm>>
    tpu.enqueue_indirect_dma source(%dma_start3A_18 : memref<1000000x64xf32, #tpu.memory_space<hbm>>) target(%dma_start3A_12 : memref<512x64xf32, #tpu.memory_space<vmem>>) offsets(%dma_start3A_15 : memref<512xi32, #tpu.memory_space<vmem>>) semaphore(%arg8 : memref<!tpu.dma_semaphore, #tpu.memory_space<semaphore_mem>>)
    %scan3A_19 = arith.constant 0 : i32
    %scan3A_20 = arith.constant 0 : i32
    %scan3A_21 = arith.constant 25 : i32
    %scan3A_22 = arith.addi %scan3A_20, %scan3A_21 : i32
    %scan3A_23 = arith.constant 1 : i32
    scf.for %scan3A_56 = %scan3A_20 to %scan3A_22 step %scan3A_23  : i32 {
      %mul3A_57 = arith.constant 2 : i32
      %mul3A_58 = arith.muli %scan3A_56, %mul3A_57 : i32
      %add3A_59 = arith.constant 0 : i32
      %add3A_60 = arith.addi %mul3A_58, %add3A_59 : i32
      %add3A_61 = arith.constant 2 : i32
      %add3A_62 = arith.addi %add3A_60, %add3A_61 : i32
      %sub3A = arith.constant 1 : i32
      %sub3A_63 = arith.subi %add3A_62, %sub3A : i32
      %lt3A = arith.constant 50 : i32
      %lt3A_64 = arith.cmpi slt, %sub3A_63, %lt3A : i32
      %ge3A = arith.constant 1 : i32
      %ge3A_65 = arith.cmpi sge, %add3A_60, %ge3A : i32
      %and3A = arith.andi %lt3A_64, %ge3A_65 : i1
      %convert_element_type3A = arith.extui %and3A : i1 to i32
      %cond3A = arith.constant 0 : i32
      %cond3A_66 = arith.cmpi ne, %convert_element_type3A, %cond3A : i32
      scf.if %cond3A_66 {
        %dma_wait3A_155 = arith.constant 1 : i32
        %dma_wait3A_156 = arith.constant 0 : i32
        %dma_wait3A_157 = arith.constant 0 : i32
        %dma_wait3A_158 = arith.constant 0 : i32
        %dma_wait3A_159 = tpu.memref_slice %arg7[%dma_wait3A_155, %dma_wait3A_157, %dma_wait3A_158] : memref<2x512x64xf32, #tpu.memory_space<vmem>> -> memref<1x512x64xf32, #tpu.memory_space<vmem>>
        %dma_wait3A_160 = tpu.memref_squeeze %dma_wait3A_159 : memref<1x512x64xf32, #tpu.memory_space<vmem>> -> memref<512x64xf32, #tpu.memory_space<vmem>>
        %dma_wait3A_161 = arith.constant 0 : i32
        %dma_wait3A_162 = tpu.memref_slice %arg4[%mul3A_2, %dma_wait3A_156, %dma_wait3A_161] : memref<16384x50x64xf32, #tpu.memory_space<hbm>> -> memref<512x1x64xf32, #tpu.memory_space<hbm>>
        %dma_wait3A_163 = tpu.memref_squeeze %dma_wait3A_162 : memref<512x1x64xf32, #tpu.memory_space<hbm>> -> memref<512x64xf32, #tpu.memory_space<hbm>>
        %dma_wait3A_164 = arith.constant 0 : i32
        %dma_wait3A_165 = tpu.memref_slice %arg4[%mul3A_2, %dma_wait3A_156, %dma_wait3A_164] : memref<16384x50x64xf32, #tpu.memory_space<hbm>> -> memref<512x1x64xf32, #tpu.memory_space<hbm>>
        %dma_wait3A_166 = tpu.memref_squeeze %dma_wait3A_165 : memref<512x1x64xf32, #tpu.memory_space<hbm>> -> memref<512x64xf32, #tpu.memory_space<hbm>>
        %dma_wait3A_167 = arith.constant 0 : i32
        %dma_wait3A_168 = arith.constant 0 : i32
        %dma_wait3A_169 = tpu.memref_slice %arg7[%dma_wait3A_155, %dma_wait3A_167, %dma_wait3A_168] : memref<2x512x64xf32, #tpu.memory_space<vmem>> -> memref<1x512x64xf32, #tpu.memory_space<vmem>>
        %dma_wait3A_170 = tpu.memref_squeeze %dma_wait3A_169 : memref<1x512x64xf32, #tpu.memory_space<vmem>> -> memref<512x64xf32, #tpu.memory_space<vmem>>
        tpu.wait_dma2 semaphore(%arg11 : memref<!tpu.dma_semaphore, #tpu.memory_space<semaphore_mem>>) src(%dma_wait3A_170 : memref<512x64xf32, #tpu.memory_space<vmem>>) dst(%dma_wait3A_166 : memref<512x64xf32, #tpu.memory_space<hbm>>)
      } else {
      }
      %add3A_67 = arith.constant 2 : i32
      %add3A_68 = arith.addi %add3A_60, %add3A_67 : i32
      %sub3A_69 = arith.constant 1 : i32
      %sub3A_70 = arith.subi %add3A_68, %sub3A_69 : i32
      %lt3A_71 = arith.constant 50 : i32
      %lt3A_72 = arith.cmpi slt, %sub3A_70, %lt3A_71 : i32
      %convert_element_type3A_73 = arith.extui %lt3A_72 : i1 to i32
      %cond3A_74 = arith.constant 0 : i32
      %cond3A_75 = arith.cmpi ne, %convert_element_type3A_73, %cond3A_74 : i32
      scf.if %cond3A_75 {
        %add3A_155 = arith.constant 2 : i32
        %add3A_156 = arith.addi %add3A_60, %add3A_155 : i32
        %sub3A_157 = arith.constant 1 : i32
        %sub3A_158 = arith.subi %add3A_156, %sub3A_157 : i32
        %dma_start3A_159 = arith.constant 1 : i32
        %dma_start3A_160 = arith.constant 0 : i32
        %dma_start3A_161 = arith.constant 0 : i32
        %dma_start3A_162 = tpu.memref_slice %arg7[%dma_start3A_159, %dma_start3A_160, %dma_start3A_161] : memref<2x512x64xf32, #tpu.memory_space<vmem>> -> memref<1x512x64xf32, #tpu.memory_space<vmem>>
        %dma_start3A_163 = tpu.memref_squeeze %dma_start3A_162 : memref<1x512x64xf32, #tpu.memory_space<vmem>> -> memref<512x64xf32, #tpu.memory_space<vmem>>
        %dma_start3A_164 = arith.constant 0 : i32
        %dma_start3A_165 = tpu.memref_slice %arg6[%sub3A_158, %dma_start3A_164] : memref<50x512xi32, #tpu.memory_space<vmem>> -> memref<1x512xi32, #tpu.memory_space<vmem>>
        %dma_start3A_166 = tpu.memref_squeeze %dma_start3A_165 : memref<1x512xi32, #tpu.memory_space<vmem>> -> memref<512xi32, #tpu.memory_space<vmem>>
        %dma_start3A_167 = arith.constant 0 : i32
        %dma_start3A_168 = arith.constant 0 : i32
        %dma_start3A_169 = tpu.memref_slice %arg3[%dma_start3A_167, %dma_start3A_168] : memref<1000000x64xf32, #tpu.memory_space<hbm>> -> memref<1000000x64xf32, #tpu.memory_space<hbm>>
        tpu.enqueue_indirect_dma source(%dma_start3A_169 : memref<1000000x64xf32, #tpu.memory_space<hbm>>) target(%dma_start3A_163 : memref<512x64xf32, #tpu.memory_space<vmem>>) offsets(%dma_start3A_166 : memref<512xi32, #tpu.memory_space<vmem>>) semaphore(%arg9 : memref<!tpu.dma_semaphore, #tpu.memory_space<semaphore_mem>>)
      } else {
      }
      %dma_wait3A_76 = arith.constant 0 : i32
      %dma_wait3A_77 = arith.constant 0 : i32
      %dma_wait3A_78 = arith.constant 0 : i32
      %dma_wait3A_79 = arith.constant 0 : i32
      %dma_wait3A_80 = tpu.memref_slice %arg7[%dma_wait3A_77, %dma_wait3A_78, %dma_wait3A_79] : memref<2x512x64xf32, #tpu.memory_space<vmem>> -> memref<1x512x64xf32, #tpu.memory_space<vmem>>
      %dma_wait3A_81 = tpu.memref_squeeze %dma_wait3A_80 : memref<1x512x64xf32, #tpu.memory_space<vmem>> -> memref<512x64xf32, #tpu.memory_space<vmem>>
      %dma_wait3A_82 = arith.constant 0 : i32
      %dma_wait3A_83 = tpu.memref_slice %arg6[%dma_wait3A_76, %dma_wait3A_82] : memref<50x512xi32, #tpu.memory_space<vmem>> -> memref<1x512xi32, #tpu.memory_space<vmem>>
      %dma_wait3A_84 = tpu.memref_squeeze %dma_wait3A_83 : memref<1x512xi32, #tpu.memory_space<vmem>> -> memref<512xi32, #tpu.memory_space<vmem>>
      %dma_wait3A_85 = arith.constant 0 : i32
      %dma_wait3A_86 = arith.constant 0 : i32
      %dma_wait3A_87 = tpu.memref_slice %arg3[%dma_wait3A_85, %dma_wait3A_86] : memref<1000000x64xf32, #tpu.memory_space<hbm>> -> memref<1000000x64xf32, #tpu.memory_space<hbm>>
      tpu.wait_indirect_dma semaphore(%arg8 : memref<!tpu.dma_semaphore, #tpu.memory_space<semaphore_mem>>) src(%dma_wait3A_87 : memref<1000000x64xf32, #tpu.memory_space<hbm>>) dst(%dma_wait3A_81 : memref<512x64xf32, #tpu.memory_space<vmem>>)
      %dma_start3A_88 = arith.constant 0 : i32
      %dma_start3A_89 = arith.constant 0 : i32
      %dma_start3A_90 = arith.constant 0 : i32
      %dma_start3A_91 = tpu.memref_slice %arg7[%dma_start3A_88, %dma_start3A_89, %dma_start3A_90] : memref<2x512x64xf32, #tpu.memory_space<vmem>> -> memref<1x512x64xf32, #tpu.memory_space<vmem>>
      %dma_start3A_92 = tpu.memref_squeeze %dma_start3A_91 : memref<1x512x64xf32, #tpu.memory_space<vmem>> -> memref<512x64xf32, #tpu.memory_space<vmem>>
      %dma_start3A_93 = arith.constant 0 : i32
      %dma_start3A_94 = tpu.memref_slice %arg4[%mul3A_2, %add3A_60, %dma_start3A_93] : memref<16384x50x64xf32, #tpu.memory_space<hbm>> -> memref<512x1x64xf32, #tpu.memory_space<hbm>>
      %dma_start3A_95 = tpu.memref_squeeze %dma_start3A_94 : memref<512x1x64xf32, #tpu.memory_space<hbm>> -> memref<512x64xf32, #tpu.memory_space<hbm>>
      %dma_start3A_96 = arith.constant 0 : i32
      %dma_start3A_97 = tpu.memref_slice %arg4[%mul3A_2, %add3A_60, %dma_start3A_96] : memref<16384x50x64xf32, #tpu.memory_space<hbm>> -> memref<512x1x64xf32, #tpu.memory_space<hbm>>
      %dma_start3A_98 = tpu.memref_squeeze %dma_start3A_97 : memref<512x1x64xf32, #tpu.memory_space<hbm>> -> memref<512x64xf32, #tpu.memory_space<hbm>>
      %dma_start3A_99 = arith.constant 0 : i32
      %dma_start3A_100 = arith.constant 0 : i32
      %dma_start3A_101 = tpu.memref_slice %arg7[%dma_start3A_88, %dma_start3A_99, %dma_start3A_100] : memref<2x512x64xf32, #tpu.memory_space<vmem>> -> memref<1x512x64xf32, #tpu.memory_space<vmem>>
      %dma_start3A_102 = tpu.memref_squeeze %dma_start3A_101 : memref<1x512x64xf32, #tpu.memory_space<vmem>> -> memref<512x64xf32, #tpu.memory_space<vmem>>
      tpu.enqueue_dma source(%dma_start3A_102 : memref<512x64xf32, #tpu.memory_space<vmem>>) target(%dma_start3A_98 : memref<512x64xf32, #tpu.memory_space<hbm>>) target_semaphore(%arg10 : memref<!tpu.dma_semaphore, #tpu.memory_space<semaphore_mem>>)
      %mul3A_103 = arith.constant 2 : i32
      %mul3A_104 = arith.muli %scan3A_56, %mul3A_103 : i32
      %add3A_105 = arith.constant 1 : i32
      %add3A_106 = arith.addi %mul3A_104, %add3A_105 : i32
      %add3A_107 = arith.constant 2 : i32
      %add3A_108 = arith.addi %add3A_106, %add3A_107 : i32
      %sub3A_109 = arith.constant 1 : i32
      %sub3A_110 = arith.subi %add3A_108, %sub3A_109 : i32
      %lt3A_111 = arith.constant 50 : i32
      %lt3A_112 = arith.cmpi slt, %sub3A_110, %lt3A_111 : i32
      %ge3A_113 = arith.constant 1 : i32
      %ge3A_114 = arith.cmpi sge, %add3A_106, %ge3A_113 : i32
      %and3A_115 = arith.andi %lt3A_112, %ge3A_114 : i1
      %convert_element_type3A_116 = arith.extui %and3A_115 : i1 to i32
      %cond3A_117 = arith.constant 0 : i32
      %cond3A_118 = arith.cmpi ne, %convert_element_type3A_116, %cond3A_117 : i32
      scf.if %cond3A_118 {
        %dma_wait3A_155 = arith.constant 0 : i32
        %dma_wait3A_156 = arith.constant 0 : i32
        %dma_wait3A_157 = arith.constant 0 : i32
        %dma_wait3A_158 = arith.constant 0 : i32
        %dma_wait3A_159 = tpu.memref_slice %arg7[%dma_wait3A_155, %dma_wait3A_157, %dma_wait3A_158] : memref<2x512x64xf32, #tpu.memory_space<vmem>> -> memref<1x512x64xf32, #tpu.memory_space<vmem>>
        %dma_wait3A_160 = tpu.memref_squeeze %dma_wait3A_159 : memref<1x512x64xf32, #tpu.memory_space<vmem>> -> memref<512x64xf32, #tpu.memory_space<vmem>>
        %dma_wait3A_161 = arith.constant 0 : i32
        %dma_wait3A_162 = tpu.memref_slice %arg4[%mul3A_2, %dma_wait3A_156, %dma_wait3A_161] : memref<16384x50x64xf32, #tpu.memory_space<hbm>> -> memref<512x1x64xf32, #tpu.memory_space<hbm>>
        %dma_wait3A_163 = tpu.memref_squeeze %dma_wait3A_162 : memref<512x1x64xf32, #tpu.memory_space<hbm>> -> memref<512x64xf32, #tpu.memory_space<hbm>>
        %dma_wait3A_164 = arith.constant 0 : i32
        %dma_wait3A_165 = tpu.memref_slice %arg4[%mul3A_2, %dma_wait3A_156, %dma_wait3A_164] : memref<16384x50x64xf32, #tpu.memory_space<hbm>> -> memref<512x1x64xf32, #tpu.memory_space<hbm>>
        %dma_wait3A_166 = tpu.memref_squeeze %dma_wait3A_165 : memref<512x1x64xf32, #tpu.memory_space<hbm>> -> memref<512x64xf32, #tpu.memory_space<hbm>>
        %dma_wait3A_167 = arith.constant 0 : i32
        %dma_wait3A_168 = arith.constant 0 : i32
        %dma_wait3A_169 = tpu.memref_slice %arg7[%dma_wait3A_155, %dma_wait3A_167, %dma_wait3A_168] : memref<2x512x64xf32, #tpu.memory_space<vmem>> -> memref<1x512x64xf32, #tpu.memory_space<vmem>>
        %dma_wait3A_170 = tpu.memref_squeeze %dma_wait3A_169 : memref<1x512x64xf32, #tpu.memory_space<vmem>> -> memref<512x64xf32, #tpu.memory_space<vmem>>
        tpu.wait_dma2 semaphore(%arg10 : memref<!tpu.dma_semaphore, #tpu.memory_space<semaphore_mem>>) src(%dma_wait3A_170 : memref<512x64xf32, #tpu.memory_space<vmem>>) dst(%dma_wait3A_166 : memref<512x64xf32, #tpu.memory_space<hbm>>)
      } else {
      }
      %add3A_119 = arith.constant 2 : i32
      %add3A_120 = arith.addi %add3A_106, %add3A_119 : i32
      %sub3A_121 = arith.constant 1 : i32
      %sub3A_122 = arith.subi %add3A_120, %sub3A_121 : i32
      %lt3A_123 = arith.constant 50 : i32
      %lt3A_124 = arith.cmpi slt, %sub3A_122, %lt3A_123 : i32
      %convert_element_type3A_125 = arith.extui %lt3A_124 : i1 to i32
      %cond3A_126 = arith.constant 0 : i32
      %cond3A_127 = arith.cmpi ne, %convert_element_type3A_125, %cond3A_126 : i32
      scf.if %cond3A_127 {
        %add3A_155 = arith.constant 2 : i32
        %add3A_156 = arith.addi %add3A_106, %add3A_155 : i32
        %sub3A_157 = arith.constant 1 : i32
        %sub3A_158 = arith.subi %add3A_156, %sub3A_157 : i32
        %dma_start3A_159 = arith.constant 0 : i32
        %dma_start3A_160 = arith.constant 0 : i32
        %dma_start3A_161 = arith.constant 0 : i32
        %dma_start3A_162 = tpu.memref_slice %arg7[%dma_start3A_159, %dma_start3A_160, %dma_start3A_161] : memref<2x512x64xf32, #tpu.memory_space<vmem>> -> memref<1x512x64xf32, #tpu.memory_space<vmem>>
        %dma_start3A_163 = tpu.memref_squeeze %dma_start3A_162 : memref<1x512x64xf32, #tpu.memory_space<vmem>> -> memref<512x64xf32, #tpu.memory_space<vmem>>
        %dma_start3A_164 = arith.constant 0 : i32
        %dma_start3A_165 = tpu.memref_slice %arg6[%sub3A_158, %dma_start3A_164] : memref<50x512xi32, #tpu.memory_space<vmem>> -> memref<1x512xi32, #tpu.memory_space<vmem>>
        %dma_start3A_166 = tpu.memref_squeeze %dma_start3A_165 : memref<1x512xi32, #tpu.memory_space<vmem>> -> memref<512xi32, #tpu.memory_space<vmem>>
        %dma_start3A_167 = arith.constant 0 : i32
        %dma_start3A_168 = arith.constant 0 : i32
        %dma_start3A_169 = tpu.memref_slice %arg3[%dma_start3A_167, %dma_start3A_168] : memref<1000000x64xf32, #tpu.memory_space<hbm>> -> memref<1000000x64xf32, #tpu.memory_space<hbm>>
        tpu.enqueue_indirect_dma source(%dma_start3A_169 : memref<1000000x64xf32, #tpu.memory_space<hbm>>) target(%dma_start3A_163 : memref<512x64xf32, #tpu.memory_space<vmem>>) offsets(%dma_start3A_166 : memref<512xi32, #tpu.memory_space<vmem>>) semaphore(%arg8 : memref<!tpu.dma_semaphore, #tpu.memory_space<semaphore_mem>>)
      } else {
      }
      %dma_wait3A_128 = arith.constant 0 : i32
      %dma_wait3A_129 = arith.constant 1 : i32
      %dma_wait3A_130 = arith.constant 0 : i32
      %dma_wait3A_131 = arith.constant 0 : i32
      %dma_wait3A_132 = tpu.memref_slice %arg7[%dma_wait3A_129, %dma_wait3A_130, %dma_wait3A_131] : memref<2x512x64xf32, #tpu.memory_space<vmem>> -> memref<1x512x64xf32, #tpu.memory_space<vmem>>
      %dma_wait3A_133 = tpu.memref_squeeze %dma_wait3A_132 : memref<1x512x64xf32, #tpu.memory_space<vmem>> -> memref<512x64xf32, #tpu.memory_space<vmem>>
      %dma_wait3A_134 = arith.constant 0 : i32
      %dma_wait3A_135 = tpu.memref_slice %arg6[%dma_wait3A_128, %dma_wait3A_134] : memref<50x512xi32, #tpu.memory_space<vmem>> -> memref<1x512xi32, #tpu.memory_space<vmem>>
      %dma_wait3A_136 = tpu.memref_squeeze %dma_wait3A_135 : memref<1x512xi32, #tpu.memory_space<vmem>> -> memref<512xi32, #tpu.memory_space<vmem>>
      %dma_wait3A_137 = arith.constant 0 : i32
      %dma_wait3A_138 = arith.constant 0 : i32
      %dma_wait3A_139 = tpu.memref_slice %arg3[%dma_wait3A_137, %dma_wait3A_138] : memref<1000000x64xf32, #tpu.memory_space<hbm>> -> memref<1000000x64xf32, #tpu.memory_space<hbm>>
      tpu.wait_indirect_dma semaphore(%arg9 : memref<!tpu.dma_semaphore, #tpu.memory_space<semaphore_mem>>) src(%dma_wait3A_139 : memref<1000000x64xf32, #tpu.memory_space<hbm>>) dst(%dma_wait3A_133 : memref<512x64xf32, #tpu.memory_space<vmem>>)
      %dma_start3A_140 = arith.constant 1 : i32
      %dma_start3A_141 = arith.constant 0 : i32
      %dma_start3A_142 = arith.constant 0 : i32
      %dma_start3A_143 = tpu.memref_slice %arg7[%dma_start3A_140, %dma_start3A_141, %dma_start3A_142] : memref<2x512x64xf32, #tpu.memory_space<vmem>> -> memref<1x512x64xf32, #tpu.memory_space<vmem>>
      %dma_start3A_144 = tpu.memref_squeeze %dma_start3A_143 : memref<1x512x64xf32, #tpu.memory_space<vmem>> -> memref<512x64xf32, #tpu.memory_space<vmem>>
      %dma_start3A_145 = arith.constant 0 : i32
      %dma_start3A_146 = tpu.memref_slice %arg4[%mul3A_2, %add3A_106, %dma_start3A_145] : memref<16384x50x64xf32, #tpu.memory_space<hbm>> -> memref<512x1x64xf32, #tpu.memory_space<hbm>>
      %dma_start3A_147 = tpu.memref_squeeze %dma_start3A_146 : memref<512x1x64xf32, #tpu.memory_space<hbm>> -> memref<512x64xf32, #tpu.memory_space<hbm>>
      %dma_start3A_148 = arith.constant 0 : i32
      %dma_start3A_149 = tpu.memref_slice %arg4[%mul3A_2, %add3A_106, %dma_start3A_148] : memref<16384x50x64xf32, #tpu.memory_space<hbm>> -> memref<512x1x64xf32, #tpu.memory_space<hbm>>
      %dma_start3A_150 = tpu.memref_squeeze %dma_start3A_149 : memref<512x1x64xf32, #tpu.memory_space<hbm>> -> memref<512x64xf32, #tpu.memory_space<hbm>>
      %dma_start3A_151 = arith.constant 0 : i32
      %dma_start3A_152 = arith.constant 0 : i32
      %dma_start3A_153 = tpu.memref_slice %arg7[%dma_start3A_140, %dma_start3A_151, %dma_start3A_152] : memref<2x512x64xf32, #tpu.memory_space<vmem>> -> memref<1x512x64xf32, #tpu.memory_space<vmem>>
      %dma_start3A_154 = tpu.memref_squeeze %dma_start3A_153 : memref<1x512x64xf32, #tpu.memory_space<vmem>> -> memref<512x64xf32, #tpu.memory_space<vmem>>
      tpu.enqueue_dma source(%dma_start3A_154 : memref<512x64xf32, #tpu.memory_space<vmem>>) target(%dma_start3A_150 : memref<512x64xf32, #tpu.memory_space<hbm>>) target_semaphore(%arg11 : memref<!tpu.dma_semaphore, #tpu.memory_space<semaphore_mem>>)
    }
    %scan3A_24 = arith.constant 25 : i32
    %dma_wait3A = arith.constant 0 : i32
    %dma_wait3A_25 = arith.constant 0 : i32
    %dma_wait3A_26 = arith.constant 0 : i32
    %dma_wait3A_27 = arith.constant 0 : i32
    %dma_wait3A_28 = tpu.memref_slice %arg7[%dma_wait3A, %dma_wait3A_26, %dma_wait3A_27] : memref<2x512x64xf32, #tpu.memory_space<vmem>> -> memref<1x512x64xf32, #tpu.memory_space<vmem>>
    %dma_wait3A_29 = tpu.memref_squeeze %dma_wait3A_28 : memref<1x512x64xf32, #tpu.memory_space<vmem>> -> memref<512x64xf32, #tpu.memory_space<vmem>>
    %dma_wait3A_30 = arith.constant 0 : i32
    %dma_wait3A_31 = tpu.memref_slice %arg4[%mul3A_2, %dma_wait3A_25, %dma_wait3A_30] : memref<16384x50x64xf32, #tpu.memory_space<hbm>> -> memref<512x1x64xf32, #tpu.memory_space<hbm>>
    %dma_wait3A_32 = tpu.memref_squeeze %dma_wait3A_31 : memref<512x1x64xf32, #tpu.memory_space<hbm>> -> memref<512x64xf32, #tpu.memory_space<hbm>>
    %dma_wait3A_33 = arith.constant 0 : i32
    %dma_wait3A_34 = tpu.memref_slice %arg4[%mul3A_2, %dma_wait3A_25, %dma_wait3A_33] : memref<16384x50x64xf32, #tpu.memory_space<hbm>> -> memref<512x1x64xf32, #tpu.memory_space<hbm>>
    %dma_wait3A_35 = tpu.memref_squeeze %dma_wait3A_34 : memref<512x1x64xf32, #tpu.memory_space<hbm>> -> memref<512x64xf32, #tpu.memory_space<hbm>>
    %dma_wait3A_36 = arith.constant 0 : i32
    %dma_wait3A_37 = arith.constant 0 : i32
    %dma_wait3A_38 = tpu.memref_slice %arg7[%dma_wait3A, %dma_wait3A_36, %dma_wait3A_37] : memref<2x512x64xf32, #tpu.memory_space<vmem>> -> memref<1x512x64xf32, #tpu.memory_space<vmem>>
    %dma_wait3A_39 = tpu.memref_squeeze %dma_wait3A_38 : memref<1x512x64xf32, #tpu.memory_space<vmem>> -> memref<512x64xf32, #tpu.memory_space<vmem>>
    tpu.wait_dma2 semaphore(%arg10 : memref<!tpu.dma_semaphore, #tpu.memory_space<semaphore_mem>>) src(%dma_wait3A_39 : memref<512x64xf32, #tpu.memory_space<vmem>>) dst(%dma_wait3A_35 : memref<512x64xf32, #tpu.memory_space<hbm>>)
    %dma_wait3A_40 = arith.constant 1 : i32
    %dma_wait3A_41 = arith.constant 0 : i32
    %dma_wait3A_42 = arith.constant 0 : i32
    %dma_wait3A_43 = arith.constant 0 : i32
    %dma_wait3A_44 = tpu.memref_slice %arg7[%dma_wait3A_40, %dma_wait3A_42, %dma_wait3A_43] : memref<2x512x64xf32, #tpu.memory_space<vmem>> -> memref<1x512x64xf32, #tpu.memory_space<vmem>>
    %dma_wait3A_45 = tpu.memref_squeeze %dma_wait3A_44 : memref<1x512x64xf32, #tpu.memory_space<vmem>> -> memref<512x64xf32, #tpu.memory_space<vmem>>
    %dma_wait3A_46 = arith.constant 0 : i32
    %dma_wait3A_47 = tpu.memref_slice %arg4[%mul3A_2, %dma_wait3A_41, %dma_wait3A_46] : memref<16384x50x64xf32, #tpu.memory_space<hbm>> -> memref<512x1x64xf32, #tpu.memory_space<hbm>>
    %dma_wait3A_48 = tpu.memref_squeeze %dma_wait3A_47 : memref<512x1x64xf32, #tpu.memory_space<hbm>> -> memref<512x64xf32, #tpu.memory_space<hbm>>
    %dma_wait3A_49 = arith.constant 0 : i32
    %dma_wait3A_50 = tpu.memref_slice %arg4[%mul3A_2, %dma_wait3A_41, %dma_wait3A_49] : memref<16384x50x64xf32, #tpu.memory_space<hbm>> -> memref<512x1x64xf32, #tpu.memory_space<hbm>>
    %dma_wait3A_51 = tpu.memref_squeeze %dma_wait3A_50 : memref<512x1x64xf32, #tpu.memory_space<hbm>> -> memref<512x64xf32, #tpu.memory_space<hbm>>
    %dma_wait3A_52 = arith.constant 0 : i32
    %dma_wait3A_53 = arith.constant 0 : i32
    %dma_wait3A_54 = tpu.memref_slice %arg7[%dma_wait3A_40, %dma_wait3A_52, %dma_wait3A_53] : memref<2x512x64xf32, #tpu.memory_space<vmem>> -> memref<1x512x64xf32, #tpu.memory_space<vmem>>
    %dma_wait3A_55 = tpu.memref_squeeze %dma_wait3A_54 : memref<1x512x64xf32, #tpu.memory_space<vmem>> -> memref<512x64xf32, #tpu.memory_space<vmem>>
    tpu.wait_dma2 semaphore(%arg11 : memref<!tpu.dma_semaphore, #tpu.memory_space<semaphore_mem>>) src(%dma_wait3A_55 : memref<512x64xf32, #tpu.memory_space<vmem>>) dst(%dma_wait3A_51 : memref<512x64xf32, #tpu.memory_space<hbm>>)
    return
  }
}

</mosaic_0001>

<sc_bundles>
// kernel: _gather_rows.3.cloned.1.call-start
scs
__scs_entry_jumppad:
0x0: {  	(pc) =	sbr.rel $0x88, $3  }
0x1: {  	(tag) =	ssettag $0x0;
	lr =	simm.s32 $0x1  }
0x2: {  	[smem:$0x3F9F] =	sst lr;
	_ =	strace $0xD0000000  }
0x3: {  	_ = 	snop  }
0x4: {  	_ = 	snop  }
0x5: {  	_ = 	snop  }
0x6: {  	_ = 	snop  }
0x7: {  	_ = 	snop  }
__scs_overlays_trampoline_lowered:
0x8: {  	[smem:$0x3FAE] =	sst s0  }
0x9: {  	[smem:$0x3FAF] =	sst s1  }
0xa: {  	[smem:$0x3FB0] =	sst s2  }
0xb: {  	[smem:$0x3FB1] =	sst s3  }
0xc: {  	[smem:$0x3FB2] =	sst s4  }
0xd: {  	[smem:$0x3FB3] =	sst s5  }
0xe: {  	[smem:$0x3FB4] =	sst s6  }
0xf: {  	[smem:$0x3FB5] =	sst s7  }
0x10: {  	[smem:$0x3FB6] =	sst s8  }
0x11: {  	[smem:$0x3FB7] =	sst s9;
	s0 =	simm.s32 @!p0 $0x0  }
0x12: {  	s1 =	sld [smem:$0x3F9D];
	s0 =	simm.s32 @p0 $0x1  }
0x13: {  	[smem:$0x3FB8] =	sst s0;
	s0 =	simm.s32 @!p1 $0x0  }
0x14: {  	s2 =	sld [smem:$0x3F9C];
	s0 =	simm.s32 @p1 $0x1  }
0x15: {  	[smem:$0x3FB9] =	sst s0;
	s0 =	simm.s32 @!p2 $0x0  }
0x16: {  	s3 =	sld [smem:$0x3FDB];
	s0 =	simm.s32 @p2 $0x1  }
0x17: {  	s4 =	simm.s32 $0x1BF5;
	[smem:$0x3FBB] =	sst s0  }
0x18: {  	s0 =	sld [smem:$0x3F9E];
	_ =	swait.ge [sflag:s4], $0x0  }
0x19: {  	s7 =	sld [smem:$0x3F9F]  }
0x1a: {  	s8 =	sadd.s32 $0xFFFFE003, lr  }
0x1b: {  	s9 =	sadd.s32 $0xFFFFFEF7, lr;
	s5 =	simm.s32 $0xFFFFFFFF;
	p2 =	slt.u32 s8, $0xFFFFF086  }
0x1c: {  	p1 =	slt.u32 s9, $0xF7A;
	s5 =	simm.s32 @!p2 $0x0  }
0x1d: {  	s5 =	simm.s32 @p1 $0x1;
	p0 =	seq.s32 s7, s2  }
0x1e: {  	s7 =	smul.u32 @!p0 $0xF7A, s2;
	p2 =	seq.s32 @!p0 s5, $0x0  }
0x1f: {  	s9 =	smul.u32 $0xF7A, s1;
	s8 =	simm.s32 @!p0 $0x1BF5;
	p2 =	por !p2, p0  }
0x20: {  	[sflag:s8] =	ssyncset.s32 @!p0 $0xFFFFF086;
	s6 =	sadd.s32 @!p0 s3, s7;
	s7 =	simm.s32 @!p0 $0x108  }
0x21: {  	s3 =	sadd.s32 s3, s9;
	s6 =	sadd.s32 @!p0 $0x88, s6;
	s7 =	simm.s32 @p2 $0x1082  }
0x22: {  	[simem:s7], [sflag:s8] =	dma.local @!p0 [hbm:s6], $0xF7A  }
0x23: {  	s9 =	sor.u32 $0xD0000000, s2;
	s6 =	simm.s32 $0x108;
	_ =	swait.ge @!p0 [sflag:s8], $0x0  }
0x24: {  	s3 =	sadd.s32 $0x88, s3;
	s6 =	simm.s32 @!p1 $0x1082;
	[sflag:s4] =	ssyncset.s32 $0xFFFFF086  }
0x25: {  	[simem:s6], [sflag:s4] =	dma.local [hbm:s3], $0xF7A  }
0x26: {  	[smem:$0x3F9F] =	sst s1;
	(tag) =	ssettag s2;
	_ =	strace s9  }
0x27: {  	s1 =	sld [smem:$0x3FAF]  }
0x28: {  	s2 =	sld [smem:$0x3FB0]  }
0x29: {  	s4 =	sld [smem:$0x3FB2]  }
0x2a: {  	p0 =	seq.s32 s5, $0x0;
	s5 =	sld [smem:$0x3FB3]  }
0x2b: {  	s6 =	sld [smem:$0x3FB4]  }
0x2c: {  	s7 =	sld [smem:$0x3FB5]  }
0x2d: {  	s3 =	simm.s32 $0x108;
	s8 =	sld [smem:$0x3FB6]  }
0x2e: {  	s3 =	simm.s32 @!p0 $0x1082;
	s9 =	sld [smem:$0x3FB7]  }
0x2f: {  	lr =	sadd.s32 s0, s3;
	s0 =	sld [smem:$0x3FAE]  }
0x30: {  	s3 =	sld [smem:$0x3FB1]  }
0x31: {  	[smem:$0x3FBA] =	sst s10  }
0x32: {  	s10 =	sld [smem:$0x3FB8];
	_ =	sdelay $0x3  }
0x33: {  	p0 =	seq.s32 s10, $0x1;
	s10 =	sld [smem:$0x3FBA];
	_ =	sdelay $0x3  }
0x34: {  	[smem:$0x3FBA] =	sst s10  }
0x35: {  	s10 =	sld [smem:$0x3FB9];
	_ =	sdelay $0x3  }
0x36: {  	p1 =	seq.s32 s10, $0x1;
	s10 =	sld [smem:$0x3FBA];
	_ =	sdelay $0x3  }
0x37: {  	[smem:$0x3FBA] =	sst s10  }
0x38: {  	s10 =	sld [smem:$0x3FBB]  }
0x39: {  	_ = 	snop;
	(pc) =	sbr.ind lr, $3  }
0x3a: {  	_ = 	snop  }
0x3b: {  	_ = 	snop  }
0x3c: {  	p2 =	seq.s32 s10, $0x1;
	s10 =	sld [smem:$0x3FBA]  }
0x3d: {  	_ =	shalt  }
0x3e: {  	_ =	shalt  }
0x3f: {  	_ =	shalt  }
0x40: {  	_ =	shalt  }
0x41: {  	_ =	shalt  }
0x42: {  	_ =	shalt  }
0x43: {  	_ =	shalt  }
0x44: {  	_ =	shalt  }
0x45: {  	_ =	shalt  }
0x46: {  	_ =	shalt  }
0x47: {  	_ =	shalt  }
0x48: {  	_ =	shalt  }
0x49: {  	_ =	shalt  }
0x4a: {  	_ =	shalt  }
0x4b: {  	_ =	shalt  }
0x4c: {  	_ =	shalt  }
0x4d: {  	_ =	shalt  }
0x4e: {  	_ =	shalt  }
0x4f: {  	_ =	shalt  }
0x50: {  	_ =	shalt  }
0x51: {  	_ =	shalt  }
0x52: {  	_ =	shalt  }
0x53: {  	_ =	shalt  }
0x54: {  	_ =	shalt  }
0x55: {  	_ =	shalt  }
0x56: {  	_ =	shalt  }
0x57: {  	_ =	shalt  }
0x58: {  	_ =	shalt  }
0x59: {  	_ =	shalt  }
0x5a: {  	_ =	shalt  }
0x5b: {  	_ =	shalt  }
0x5c: {  	_ =	shalt  }
0x5d: {  	_ =	shalt  }
0x5e: {  	_ =	shalt  }
0x5f: {  	_ =	shalt  }
0x60: {  	_ =	shalt  }
0x61: {  	_ =	shalt  }
0x62: {  	_ =	shalt  }
0x63: {  	_ =	shalt  }
0x64: {  	_ =	shalt  }
0x65: {  	_ =	shalt  }
0x66: {  	_ =	shalt  }
0x67: {  	_ =	shalt  }
0x68: {  	_ =	shalt  }
0x69: {  	_ =	shalt  }
0x6a: {  	_ =	shalt  }
0x6b: {  	_ =	shalt  }
0x6c: {  	_ =	shalt  }
0x6d: {  	_ =	shalt  }
0x6e: {  	_ =	shalt  }
0x6f: {  	_ =	shalt  }
0x70: {  	_ =	shalt  }
0x71: {  	_ =	shalt  }
0x72: {  	_ =	shalt  }
0x73: {  	_ =	shalt  }
0x74: {  	_ =	shalt  }
0x75: {  	_ =	shalt  }
0x76: {  	_ =	shalt  }
0x77: {  	_ =	shalt  }
0x78: {  	_ =	shalt  }
0x79: {  	_ =	shalt  }
0x7a: {  	_ =	shalt  }
0x7b: {  	_ =	shalt  }
0x7c: {  	_ =	shalt  }
0x7d: {  	_ =	shalt  }
0x7e: {  	_ =	shalt  }
0x7f: {  	_ =	shalt  }
0x80: {  	_ =	shalt  }
0x81: {  	_ =	shalt  }
0x82: {  	_ =	shalt  }
0x83: {  	_ =	shalt  }
0x84: {  	_ =	shalt  }
0x85: {  	_ =	shalt  }
0x86: {  	_ =	shalt  }
0x87: {  	_ =	shalt  }
.Lfunc_end0:
.L_simem_size_0:
called_computation.1_lowered:
.L_overlay_start_0:
0x88: {  	s2 =	sld [smem:$0x3FD9]  }
0x89: {  	s3 =	sld [smem:$0x3FFE];
	_ =	sdelay $0x1  }
0x8a: {  	s1 =	srdreg.scid  }
0x8b: {  	s0 =	sand.u32 $0x1, s1  }
0x8c: {  	s17 =	sshll.u32 s0, $0xA;
	s2 =	sadd.s32 s3, s2  }
0x8d: {  	s2 =	sadd.s32 s2, s17  }
0x8e: {  	[smem:$0x3FC6] =	sst s2  }
0x8f: {  	_ = 	snop  }
0x90: {  	s2 =	sld [smem:$0x3FD0];
	(tm) =	ssettm $0x1  }
0x91: {  	s18 =	sld [smem:$0x3FFB];
	_ =	sdelay $0x3  }
0x92: {  	_ =	strace s18  }
0x93: {  	s3 =	sld [smem:$0x3FFC];
	_ =	sdelay $0x3  }
0x94: {  	_ =	strace s3  }
0x95: {  	s3 =	sld [smem:$0x3FFD];
	_ =	sdelay $0x3  }
0x96: {  	_ =	strace s3  }
0x97: {  	_ =	strace $0x8FFFFFFF  }
0x98: {  	s19 =	sld [smem:$0x3FDB];
	_ =	sdelay $0x1  }
0x99: {  	s4 =	simm.s32 $_scs_section_size  }
0x9a: {  	s5 =	simm.s32 $_size__tile_overlayer_lowered;
	s6 =	simm.s32 $_tile_overlayer_lowered  }
0x9b: {  	s22 =	simm.s32 $0x1BFF;
	s21 =	sshll.u32 s6, $0x1;
	s3 =	sadd.s32 s4, s19  }
0x9c: {  	s7 =	simm.s32 $0x0;
	s20 =	sshll.u32 s5, $0x1;
	s5 =	sadd.s32 s21, s3  }
0x9d: {  	[timem:s7], [sflag:s22] =	dma.local [hbm:s5], s20  }
0x9e: {  	_ =	swait.ge [sflag:s22], s20  }
0x9f: {  	s4 =	ssub.s32 $0x0, s20;
	[sflag:s22] =	ssyncset.done $0x0  }
0xa0: {  	[sflag:s22] =	ssyncadd.s32 s4;
	_ =	sdelay $0x1  }
0xa1: {  	s23 =	simm.s32 $0x1B8B  }
0xa2: {  	_ =	swait.ge [sflag:s23], $0x1  }
0xa3: {  	[sflag:s23] =	ssyncset.done $0x0  }
0xa4: {  	s25 =	simm.s32 $0x1B8E;
	s24 =	sld [smem:$0x3FFE];
	[sflag:s23] =	ssyncadd.s32 $0xFFFFFFFF  }
0xa5: {  	s26 =	simm.s32 $execute0_lowered;
	[smem:$0x3FD2] =	sst s25  }
0xa6: {  	s5 =	sshll.u32 s26, $0x1;
	_ =	strace $0x80000046;
	[dreg:$0x1] =	wrdreg $0xFFFFFFFF  }
0xa7: {  	s28 =	simm.s32 $_size_execute0_lowered;
	s3 =	sadd.s32 s3, s5;
	[dreg:$0x0] =	wrdreg $0x0  }
0xa8: {  	s5 =	sshll.u32 s28, $0x1;
	[dreg:$0x2] =	wrdreg s3  }
0xa9: {  	[dreg:$0x3] =	wrdreg s5  }
0xaa: {  	[dreg:$0x4] =	wrdreg $0xC0  }
0xab: {  	_ =	task [dreg:s7], $0x5FFFF  }
0xac: {  	[dreg:$0x1] =	wrdreg $0xFFFFFFFF  }
0xad: {  	[dreg:$0x0] =	wrdreg $0x60  }
0xae: {  	[dreg:$0x2] =	wrdreg s24  }
0xaf: {  	[dreg:$0x3] =	wrdreg s2  }
0xb0: {  	[dreg:$0x4] =	wrdreg $0x9  }
0xb1: {  	_ =	task.clear_ibuf [dreg:s7], $0x5FFFF;
	_ =	strace $0x90000046  }
0xb2: {  	s29 =	simm.s32 $0x9;
	_ =	strace $0x80000048  }
0xb3: {  	_ =	swait.ge [sflag:s29], $0x1  }
0xb4: {  	[sflag:s29] =	ssyncadd.s32 $0xFFFFFFFF  }
0xb5: {  	_ =	strace $0x90000048  }
0xb6: {  	_ =	sfence  }
0xb7: {  	s30 =	sld [smem:$0x0];
	_ =	sdelay $0x2  }
0xb8: {  	s31 =	sshll.u32 s1, $0xD;
	s1 =	sshrl.u32 s1, $0x2  }
0xb9: {  	s3 =	sand.u32 $0x4000, s31;
	s1 =	sadd.s32 s1, s30  }
0xba: {  	s0 =	sor.u32 s3, s0;
	s1 =	sshll.u32 s1, $0x11  }
0xbb: {  	s0 =	sor.u32 s1, s0  }
0xbc: {  	s0 =	sadd.s32 $0x8F2B, s0  }
0xbd: {  	[sflag:s0] =	ssyncadd.remote.s32 $0x1  }
0xbe: {  	_ =	sfence.sel $0xFFFF  }
0xbf: {  	[dreg:$0x0] =	wrdreg $0xFFFFFFFF;
	(pc) =	sbr.abs _section_cstart, $3  }
0xc0: {  	[dreg:$0x1] =	wrdreg $0xFFFFFFFF  }
0xc1: {  	_ =	task.clear_ibuf [dreg:s7], $0x2FFFF;
	_ =	strace $0x9FFFFFFF  }
0xc2: {  	(tm) =	ssettm $0x7FFFFFFF  }
0xc3: {  	_ =	shalt  }
tec
execute0_lowered:
.L_overlay_start_1:
0x0: {  	(tag) =	ssettag $0x1  }
0x1: {  	s1 =	srdreg.scid;
	s3 =	rddreg [dreg:$0x0]  }
0x2: {  	s0 =	stileid.u32;
	s11 =	rddreg [dreg:$0x1]  }
0x3: {  	s2 =	simm.s32 $0x0;
	s12 =	simm.s32 $0x5;
	s13 =	simm.s32 $0x200  }
0x4: {  	s14 =	simm.s32 $0x7000;
	s15 =	simm.s32 $0xD400;
	s16 =	simm.s32 $0x7200  }
0x5: {  	s17 =	simm.s32 $0x15400;
	s18 =	simm.s32 $0x1;
	s19 =	simm.s32 $0x40  }
0x6: {  	s20 =	simm.s32 $0xC80;
	s21 =	simm.s32 $0x3;
	s22 =	simm.s32 $0x7400  }
0x7: {  	s23 =	simm.s32 $0x2;
	s24 =	simm.s32 $0x4;
	s25 =	simm.s32 $0xD200  }
0x8: {  	s1 =	sand.u32 $0x1, s1;
	s4 =	sshll.u32 s0, $0xA;
	s7 =	smul.u32 $0x320000, s0  }
0x9: {  	s5 =	sshll.u32 s1, $0x9;
	s31 =	ssub.s32 $0x2, s1;
	s1 =	smul.u32 $0x190000, s1  }
0xa: {  	s26 =	simm.s32 $0x0;
	[smem:$0x7FF] =	sst s2;
	s4 =	sor.u32 s5, s4  }
0xb: {  	_ =	strace $0x80000047;
	s5 =	smul.u32 $0x7, s4;
	s1 =	sadd.s32 s1, s7  }
0xc: {  	s8 =	sshrl.u32 s31, $0x1;
	s6 =	smul.u32 $0xC80, s4;
	s9 =	sor.u32 $0x80, s1  }
0xd: {  	s1 =	sor.u32 $0xC0, s1;
	s30 =	sadd.s32 s5, s3;
	s3 =	sadd.s32 $0xF42E00, s3  }
0xe: {  	s5 =	ssub.s32 s31, s8;
	s6 =	sshrl.u32 s6, $0x3;
	s10 =	sshrl.u32 s9, $0x3  }
0xf: {  	s1 =	sshrl.u32 s1, $0x3;
	s4 =	sadd.s32 $0xA00, s30;
	s5 =	smax.u32 s5, $0x1  }
0x10: {  	v0 =	vlaneseq.u32;
	s6 =	sadd.s32 s11, s6;
	s10 =	sadd.s32 s10, s11;
	s11 =	sadd.s32 s1, s11  }
0x11: {  	v0 =	vmul.u32 $0x38, v0;
	s7 =	sadd.s32 $0x8, s6;
	s8 =	sadd.s32 $0x180, s6;
	s9 =	sadd.s32 $0x188, s6  }
.LBB2_1:
0x12: {  	[tilespmem:s2], [sflag:$0x5] =	stream.linear.gather [hbm4b:s4+s2], $0x7000, $0x38;
	[tilespmem:$0x1D400] =	vst v63  }
0x13: {  	_ =	swait.ge [sflag:s12], $0x7000  }
0x14: {  	[sflag:s12] =	ssyncset.done $0x0  }
0x15: {  	s28 =	simm.s32 $0x7020;
	s29 =	simm.s32 $0x0;
	[sflag:s12] =	ssyncadd.s32 $0xFFFF9000  }
.LBB2_2:
0x16: {  	s1 =	simm.s32 $0x0  }
0x17: {  	v1 =	vmov s1  }
0x18: {  	v1 =	vmul.u32 $0x38, v1  }
0x19: {  	v2 =	vmov s29  }
0x1a: {  	v2 =	vand.u32 $0x3F, v2;
	v3 =	vbroadcast v1, $0x0  }
0x1b: {  	v1 =	vadd.s32 v0, v2  }
0x1c: {  	s0 =	simm.s32 $0x10;
	v2 =	vadd.s32 v3, v1  }
0x1d: {  	v3 =	vmov s0  }
0x1e: {  	v3 =	vmul.u32 $0x38, v3;
	_ =	sdelay $0x1  }
0x1f: {  	v3 =	vbroadcast v3, $0x0  }
0x20: {  	v2 =	vld.idx.msk [tilespmem:v2+s2+$0x0], $0xffff  }
0x21: {  	s0 =	simm.s32 $0x20;
	v3 =	vadd.s32 v3, v1  }
0x22: {  	v4 =	vmov s0  }
0x23: {  	v4 =	vmul.u32 $0x38, v4;
	_ =	sdelay $0x1  }
0x24: {  	[tilespmem:s28+$0xFFFFFFE0] =	vst v2;
	v2 =	vbroadcast v4, $0x0  }
0x25: {  	v3 =	vld.idx.msk [tilespmem:v3+s2+$0x0], $0xffff  }
0x26: {  	s0 =	simm.s32 $0x30;
	v2 =	vadd.s32 v2, v1  }
0x27: {  	v4 =	vmov s0  }
0x28: {  	v4 =	vmul.u32 $0x38, v4;
	_ =	sdelay $0x1  }
0x29: {  	v4 =	vbroadcast v4, $0x0;
	[tilespmem:s28+$0xFFFFFFF0] =	vst v3  }
0x2a: {  	v2 =	vld.idx.msk [tilespmem:v2+s2+$0x0], $0xffff  }
0x2b: {  	v3 =	vadd.s32 v4, v1  }
0x2c: {  	s31 =	simm.s32 $0x0;
	s30 =	smov.u32 s28;
	s1 =	simm.s32 $0x40  }
.LBB2_3:
0x2d: {  	v4 =	vmov s1;
	s31 =	sadd.s32 $0x4, s31  }
0x2e: {  	v4 =	vmul.u32 $0x38, v4;
	p0 =	slt.u32 s31, $0x1C  }
0x2f: {  	[tilespmem:s30+$0x0] =	vst v2  }
0x30: {  	v2 =	vbroadcast v4, $0x0;
	v3 =	vld.idx.msk [tilespmem:v3+s2+$0x0], $0xffff;
	_ =	sdelay $0x1  }
0x31: {  	v2 =	vadd.s32 v2, v1  }
0x32: {  	s0 =	sadd.s32 $0x10, s1  }
0x33: {  	v4 =	vmov s0  }
0x34: {  	v4 =	vmul.u32 $0x38, v4  }
0x35: {  	[tilespmem:s30+$0x10] =	vst v3  }
0x36: {  	v3 =	vbroadcast v4, $0x0;
	v2 =	vld.idx.msk [tilespmem:v2+s2+$0x0], $0xffff;
	_ =	sdelay $0x1  }
0x37: {  	v3 =	vadd.s32 v3, v1  }
0x38: {  	s0 =	sadd.s32 $0x20, s1  }
0x39: {  	v4 =	vmov s0  }
0x3a: {  	s30 =	sadd.s32 $0x40, s30;
	v4 =	vmul.u32 $0x38, v4  }
0x3b: {  	[tilespmem:s30+$0xFFFFFFE0] =	vst v2  }
0x3c: {  	v2 =	vld.idx.msk [tilespmem:v3+s2+$0x0], $0xffff;
	v3 =	vbroadcast v4, $0x0;
	_ =	sdelay $0x1  }
0x3d: {  	v3 =	vadd.s32 v3, v1  }
0x3e: {  	s0 =	sadd.s32 $0x30, s1  }
0x3f: {  	v4 =	vmov s0  }
0x40: {  	v4 =	vmul.u32 $0x38, v4  }
.Ltmp0:
0x41: {  	[tilespmem:s30+$0xFFFFFFF0] =	vst v2;
	(pc) =	sbr.rel @p0 .LBB2_3-.Ltmp0, $3  }
0x42: {  	v2 =	vld.idx.msk [tilespmem:v3+s2+$0x0], $0xffff;
	v3 =	vbroadcast v4, $0x0;
	_ =	sdelay $0x1  }
0x43: {  	v3 =	vadd.s32 v3, v1  }
0x44: {  	s1 =	sadd.s32 $0x40, s1  }
0x45: {  	_ =	sdelay $0x2  }
0x46: {  	s29 =	sadd.s32 $0x1, s29;
	[tilespmem:s30+$0x0] =	vst v2  }
0x47: {  	p0 =	sne.s32 s29, $0x32;
	v1 =	vld.idx.msk [tilespmem:v3+s2+$0x0], $0xffff  }
.Ltmp1:
0x48: {  	_ = 	snop;
	(pc) =	sbr.rel @p0 .LBB2_2-.Ltmp1, $2  }
0x49: {  	_ =	sdelay $0x2  }
0x4a: {  	s28 =	sadd.s32 $0x200, s28;
	[tilespmem:s30+$0x10] =	vst v1  }
0x4b: {  	[tilespmem:s15], [sflag:$0x1] =	stream.indirect.gather [hbm4b:s3+s13], $0x40, s14, s13, $0xb8;
	[tilespmem:$0x1D400] =	vst v63  }
0x4c: {  	_ = 	snop  }
0x4d: {  	[tilespmem:s17], [sflag:$0x2] =	stream.indirect.gather [hbm4b:s3+s13], $0x40, s16, s13, $0xb8;
	[tilespmem:$0x1D400] =	vst v63  }
0x4e: {  	_ =	swait.ge [sflag:s18], $0x8000  }
0x4f: {  	[sflag:s18] =	ssyncset.done $0x0  }
0x50: {  	[sflag:s18] =	ssyncadd.s32 $0xFFFF8000  }
0x51: {  	[hbm4b:s6+s19] =	stream.strided.scatter [tilespmem:s15], [sflag:$0x3], $0x8000, s20, s19, $0x38;
	[tilespmem:$0x1D400] =	vst v63  }
0x52: {  	_ =	swait.ge [sflag:s21], $0x8000  }
0x53: {  	[sflag:s21] =	ssyncset.done $0x0  }
0x54: {  	[sflag:s21] =	ssyncadd.s32 $0xFFFF8000  }
0x55: {  	[tilespmem:s15], [sflag:$0x1] =	stream.indirect.gather [hbm4b:s3+s13], $0x40, s22, s13, $0xb8;
	[tilespmem:$0x1D400] =	vst v63  }
0x56: {  	_ =	swait.ge [sflag:s23], $0x8000  }
0x57: {  	[sflag:s23] =	ssyncset.done $0x0  }
0x58: {  	[sflag:s23] =	ssyncadd.s32 $0xFFFF8000  }
0x59: {  	[hbm4b:s7+s19] =	stream.strided.scatter [tilespmem:s17], [sflag:$0x4], $0x8000, s20, s19, $0x38;
	[tilespmem:$0x1D400] =	vst v63  }
0x5a: {  	_ =	swait.ge [sflag:s24], $0x8000  }
0x5b: {  	[sflag:s24] =	ssyncset.done $0x0  }
0x5c: {  	s0 =	simm.s32 $0x7600;
	[sflag:s24] =	ssyncadd.s32 $0xFFFF8000  }
0x5d: {  	[tilespmem:s17], [sflag:$0x2] =	stream.indirect.gather [hbm4b:s3+s13], $0x40, s0, s13, $0xb8;
	[tilespmem:$0x1D400] =	vst v63  }
0x5e: {  	_ =	swait.ge [sflag:s18], $0x8000  }
0x5f: {  	[sflag:s18] =	ssyncset.done $0x0  }
0x60: {  	s30 =	sadd.s32 $0x0, s10;
	[sflag:s18] =	ssyncadd.s32 $0xFFFF8000  }
0x61: {  	[hbm4b:s30+s19] =	stream.strided.scatter [tilespmem:s15], [sflag:$0x3], $0x8000, s20, s19, $0x38;
	[tilespmem:$0x1D400] =	vst v63  }
0x62: {  	_ =	swait.ge [sflag:s21], $0x8000  }
0x63: {  	[sflag:s21] =	ssyncset.done $0x0  }
0x64: {  	s31 =	simm.s32 $0x7800;
	[sflag:s21] =	ssyncadd.s32 $0xFFFF8000  }
0x65: {  	[tilespmem:s15], [sflag:$0x1] =	stream.indirect.gather [hbm4b:s3+s13], $0x40, s31, s13, $0xb8;
	[tilespmem:$0x1D400] =	vst v63  }
0x66: {  	_ =	swait.ge [sflag:s23], $0x8000  }
0x67: {  	s1 =	simm.s32 $0x10;
	[sflag:s23] =	ssyncset.done $0x0  }
0x68: {  	s29 =	sadd.s32 $0x0, s11;
	s28 =	simm.s32 $0x7C00;
	[sflag:s23] =	ssyncadd.s32 $0xFFFF8000  }
.LBB2_6:
0x69: {  	[hbm4b:s29+s19] =	stream.strided.scatter [tilespmem:s17], [sflag:$0x4], $0x8000, s20, s19, $0x38;
	[tilespmem:$0x1D400] =	vst v63  }
0x6a: {  	s0 =	smov.u32 s1  }
0x6b: {  	p0 =	sne.s32 s1, $0x160;
	s1 =	sadd.s32 $0x10, s1;
	_ =	swait.ge [sflag:s24], $0x8000  }
0x6c: {  	[sflag:s24] =	ssyncset.done $0x0  }
0x6d: {  	s29 =	sadd.s32 $0xFFFFFE00, s28;
	[sflag:s24] =	ssyncadd.s32 $0xFFFF8000  }
0x6e: {  	[tilespmem:s17], [sflag:$0x2] =	stream.indirect.gather [hbm4b:s3+s13], $0x40, s29, s13, $0xb8;
	[tilespmem:$0x1D400] =	vst v63  }
0x6f: {  	_ =	swait.ge [sflag:s18], $0x8000  }
0x70: {  	[sflag:s18] =	ssyncset.done $0x0  }
0x71: {  	s29 =	sadd.s32 s0, s10;
	[sflag:s18] =	ssyncadd.s32 $0xFFFF8000  }
0x72: {  	[hbm4b:s29+s19] =	stream.strided.scatter [tilespmem:s15], [sflag:$0x3], $0x8000, s20, s19, $0x38;
	[tilespmem:$0x1D400] =	vst v63  }
0x73: {  	_ =	swait.ge [sflag:s21], $0x8000  }
0x74: {  	[sflag:s21] =	ssyncset.done $0x0  }
.Ltmp2:
0x75: {  	[sflag:s21] =	ssyncadd.s32 $0xFFFF8000;
	(pc) =	sbr.rel @p0 .LBB2_6-.Ltmp2, $4  }
0x76: {  	[tilespmem:s15], [sflag:$0x1] =	stream.indirect.gather [hbm4b:s3+s13], $0x40, s28, s13, $0xb8;
	[tilespmem:$0x1D400] =	vst v63  }
0x77: {  	_ =	swait.ge [sflag:s23], $0x8000  }
0x78: {  	[sflag:s23] =	ssyncset.done $0x0  }
0x79: {  	s29 =	sadd.s32 s0, s11;
	s28 =	sadd.s32 $0x400, s28;
	[sflag:s23] =	ssyncadd.s32 $0xFFFF8000  }
0x7a: {  	[hbm4b:s29+s19] =	stream.strided.scatter [tilespmem:s17], [sflag:$0x4], $0x8000, s20, s19, $0x38;
	[tilespmem:$0x1D400] =	vst v63  }
0x7b: {  	_ =	swait.ge [sflag:s24], $0x8000  }
0x7c: {  	[sflag:s24] =	ssyncset.done $0x0  }
0x7d: {  	[sflag:s24] =	ssyncadd.s32 $0xFFFF8000  }
0x7e: {  	[tilespmem:s17], [sflag:$0x2] =	stream.indirect.gather [hbm4b:s3+s13], $0x40, s25, s13, $0xb8;
	[tilespmem:$0x1D400] =	vst v63  }
0x7f: {  	_ =	swait.ge [sflag:s18], $0x8000  }
0x80: {  	[sflag:s18] =	ssyncset.done $0x0  }
0x81: {  	[sflag:s18] =	ssyncadd.s32 $0xFFFF8000  }
0x82: {  	[hbm4b:s8+s19] =	stream.strided.scatter [tilespmem:s15], [sflag:$0x3], $0x8000, s20, s19, $0x38;
	[tilespmem:$0x1D400] =	vst v63  }
0x83: {  	_ =	swait.ge [sflag:s23], $0x8000  }
0x84: {  	[sflag:s23] =	ssyncset.done $0x0  }
0x85: {  	s26 =	sadd.s32 $0x1, s26;
	[sflag:s23] =	ssyncadd.s32 $0xFFFF8000  }
0x86: {  	[hbm4b:s9+s19] =	stream.strided.scatter [tilespmem:s17], [sflag:$0x4], $0x8000, s20, s19, $0x38;
	[tilespmem:$0x1D400] =	vst v63  }
0x87: {  	p0 =	sne.s32 s26, s5;
	_ =	swait.ge [sflag:s21], $0x8000  }
.Ltmp3:
0x88: {  	[sflag:s21] =	ssyncset.done $0x0;
	(pc) =	sbr.rel @p0 .LBB2_1-.Ltmp3, $4  }
0x89: {  	[sflag:s21] =	ssyncadd.s32 $0xFFFF8000  }
0x8a: {  	_ =	swait.ge [sflag:s24], $0x8000  }
0x8b: {  	[sflag:s24] =	ssyncset.done $0x0  }
0x8c: {  	[sflag:s24] =	ssyncadd.s32 $0xFFFF8000  }
0x8d: {  	_ =	sfence.sel $0x180000  }
0x8e: {  	[bflag:$0x0] =	sbarrier.arrive $0xFFFF  }
0x8f: {  	_ =	strace $0x90000047  }
0x90: {  	s0 =	stileid.u32;
	[bflag:$0x2] =	sbarrier.arrive $0xFFFF  }
0x91: {  	p0 =	sne.s32 s0, $0x0;
	s0 =	rddreg [dreg:$0x2]  }
0x92: {  	s0 =	sadd.s32 @!p0 $0x100000, s0  }
0x93: {  	[sflag:s0] =	ssyncadd.tile.s32 @!p0 $0x1;
	_ =	shalt  }
.Lfunc_end2:
_tile_overlayer_lowered:
.L_overlay_start_2:
0x94: {  	(tag) =	ssettag $0x2  }
0x95: {  	s0 =	rddreg [dreg:$0x0];
	s2 =	stileid.u32  }
0x96: {  	s1 =	rddreg [dreg:$0x1];
	p0 =	sne.s32 s2, $0x0  }
0x97: {  	s3 =	rddreg [dreg:$0x2];
	[bflag:$0x3] =	sbarrier.arrive $0xFFFF;
	s2 =	simm.s32 @!p0 $0x1C05  }
0x98: {  	[timem:s3], [sflag:s2] =	dma.local @!p0 [hbm:s0], s1  }
0x99: {  	s0 =	simm.s32 @!p0 $0x5  }
0x9a: {  	_ =	swait.ge @!p0 [sflag:s0], s1  }
0x9b: {  	s1 =	ssub.s32 @!p0 $0x0, s1;
	[sflag:s0] =	ssyncset.done @!p0 $0x0  }
0x9c: {  	[sflag:s0] =	ssyncadd.s32 @!p0 s1  }
0x9d: {  	[bflag:$0x3] =	sbarrier.arrive $0xFFFF  }
0x9e: {  	_ =	shalt  }

// kernel: sparse-core-data-format-call.cloned.1.call-start
scs
called_computation_lowered:
.L_overlay_start_0:
0x0: {  	s2 =	sld [smem:$0x3FD9]  }
0x1: {  	s3 =	sld [smem:$0x3FFE];
	_ =	sdelay $0x1  }
0x2: {  	s1 =	srdreg.scid  }
0x3: {  	s0 =	sand.u32 $0x1, s1  }
0x4: {  	s18 =	sshll.u32 s0, $0xA;
	s2 =	sadd.s32 s3, s2  }
0x5: {  	s2 =	sadd.s32 s2, s18  }
0x6: {  	[smem:$0x3FC6] =	sst s2  }
0x7: {  	_ = 	snop  }
0x8: {  	s2 =	sld [smem:$0x3FD0];
	(tm) =	ssettm $0x1  }
0x9: {  	s19 =	sld [smem:$0x3FFB];
	_ =	sdelay $0x3  }
0xa: {  	_ =	strace s19  }
0xb: {  	s3 =	sld [smem:$0x3FFC];
	_ =	sdelay $0x3  }
0xc: {  	_ =	strace s3  }
0xd: {  	s3 =	sld [smem:$0x3FFD];
	_ =	sdelay $0x3  }
0xe: {  	_ =	strace s3  }
0xf: {  	_ =	strace $0x8FFFFFFF  }
0x10: {  	s20 =	sld [smem:$0x3FDB];
	_ =	sdelay $0x1  }
0x11: {  	s4 =	simm.s32 $_scs_section_size  }
0x12: {  	s5 =	simm.s32 $_size__tile_overlayer_lowered;
	s6 =	simm.s32 $_tile_overlayer_lowered  }
0x13: {  	s23 =	simm.s32 $0x1BFF;
	s22 =	sshll.u32 s6, $0x1;
	s3 =	sadd.s32 s4, s20  }
0x14: {  	s7 =	simm.s32 $0x0;
	s21 =	sshll.u32 s5, $0x1;
	s5 =	sadd.s32 s22, s3  }
0x15: {  	[timem:s7], [sflag:s23] =	dma.local [hbm:s5], s21  }
0x16: {  	_ =	swait.ge [sflag:s23], s21  }
0x17: {  	s4 =	ssub.s32 $0x0, s21;
	[sflag:s23] =	ssyncset.done $0x0  }
0x18: {  	[sflag:s23] =	ssyncadd.s32 s4;
	_ =	sdelay $0x1  }
0x19: {  	s24 =	simm.s32 $0x1B8B  }
0x1a: {  	_ =	swait.ge [sflag:s24], $0x1  }
0x1b: {  	[sflag:s24] =	ssyncset.done $0x0  }
0x1c: {  	s26 =	simm.s32 $0x1B8E;
	s25 =	sld [smem:$0x3FFE];
	[sflag:s24] =	ssyncadd.s32 $0xFFFFFFFF  }
0x1d: {  	s27 =	simm.s32 $execute0_lowered;
	[smem:$0x3FD2] =	sst s26  }
0x1e: {  	s5 =	sshll.u32 s27, $0x1;
	_ =	strace $0x80000049;
	[dreg:$0x1] =	wrdreg $0xFFFFFFFF  }
0x1f: {  	s28 =	simm.s32 $_size_execute0_lowered;
	s3 =	sadd.s32 s3, s5;
	[dreg:$0x0] =	wrdreg $0x0  }
0x20: {  	s5 =	sshll.u32 s28, $0x1;
	[dreg:$0x2] =	wrdreg s3  }
0x21: {  	[dreg:$0x3] =	wrdreg s5  }
0x22: {  	[dreg:$0x4] =	wrdreg $0xC0  }
0x23: {  	_ =	task [dreg:s7], $0x5FFFF  }
0x24: {  	[dreg:$0x1] =	wrdreg $0xFFFFFFFF  }
0x25: {  	[dreg:$0x0] =	wrdreg $0x60  }
0x26: {  	[dreg:$0x2] =	wrdreg s25  }
0x27: {  	[dreg:$0x3] =	wrdreg s2  }
0x28: {  	[dreg:$0x4] =	wrdreg $0x9  }
0x29: {  	_ =	task.clear_ibuf [dreg:s7], $0x5FFFF;
	_ =	strace $0x90000049  }
0x2a: {  	s29 =	simm.s32 $0x9;
	_ =	strace $0x8000004B  }
0x2b: {  	_ =	swait.ge [sflag:s29], $0x1  }
0x2c: {  	[sflag:s29] =	ssyncadd.s32 $0xFFFFFFFF  }
0x2d: {  	_ =	strace $0x9000004B  }
0x2e: {  	_ =	sfence  }
0x2f: {  	s30 =	sld [smem:$0x0];
	_ =	sdelay $0x2  }
0x30: {  	s31 =	sshll.u32 s1, $0xD;
	s1 =	sshrl.u32 s1, $0x2  }
0x31: {  	s3 =	sand.u32 $0x4000, s31;
	s1 =	sadd.s32 s1, s30  }
0x32: {  	s0 =	sor.u32 s3, s0;
	s1 =	sshll.u32 s1, $0x11  }
0x33: {  	s0 =	sor.u32 s1, s0  }
0x34: {  	s0 =	sadd.s32 $0x8F2B, s0  }
0x35: {  	[sflag:s0] =	ssyncadd.remote.s32 $0x1  }
0x36: {  	_ =	sfence.sel $0xFFFF  }
0x37: {  	[dreg:$0x0] =	wrdreg $0xFFFFFFFF;
	(pc) =	sbr.abs _section_cstart, $3  }
0x38: {  	[dreg:$0x1] =	wrdreg $0xFFFFFFFF  }
0x39: {  	_ =	task.clear_ibuf [dreg:s7], $0x2FFFF;
	_ =	strace $0x9FFFFFFF  }
0x3a: {  	(tm) =	ssettm $0x7FFFFFFF  }
0x3b: {  	_ =	shalt  }
tec
execute0_lowered:
.L_overlay_start_1:
0x0: {  	(tag) =	ssettag $0x1  }
0x1: {  	s0 =	srdreg.scid  }
0x2: {  	s1 =	sshll.u32 s0, $0x4  }
0x3: {  	s0 =	stileid.u32;
	s1 =	sand.u32 $0x10, s1  }
0x4: {  	s1 =	sor.u32 s0, s1  }
0x5: {  	s6 =	rddreg [dreg:$0x0];
	s4 =	simm.s32 $0x1;
	s2 =	sshll.u32 s1, $0x7  }
0x6: {  	s7 =	simm.s32 $0x2;
	s12 =	simm.s32 $0x0;
	s1 =	ssub.s32 $0x4000, s2  }
0x7: {  	s8 =	simm.s32 $0x20000;
	s13 =	simm.s32 $0x0;
	s3 =	sand.u32 $0xF80, s1  }
0x8: {  	s9 =	simm.s32 $0x0;
	s5 =	sshrl.u32 s1, $0xC;
	p0 =	sne.s32 s3, $0x0  }
.Ltmp0:
0x9: {  	s1 =	rddreg [dreg:$0x2];
	s4 =	simm.s32 @!p0 $0x0;
	(pc) =	sbr.rel .LBB1_1-.Ltmp0, $4  }
0xa: {  	s11 =	simm.s32 $0x0;
	s3 =	rddreg [dreg:$0x1];
	s5 =	sadd.s32 s4, s5  }
0xb: {  	_ =	strace $0x8000004A;
	s4 =	simm.s32 $0x1;
	s5 =	smul.u32 $0x32, s5  }
0xc: {  	s6 =	sadd.s32 $0xA00, s6;
	s10 =	smov.u32 s2;
	[sflag:s4] =	ssyncpa.u1 $0x0  }
0xd: {  	p0 =	por $0x0, $0x0;
	[sflag:s7] =	ssyncpa.u1 $0x0;
	s7 =	sor.u32 $0x1, s5  }
.LBB1_4:
0xe: {  	s16 =	sshll.u32 s13, $0x3;
	s17 =	sand.u32 $0x78, s13  }
0xf: {  	s30 =	sand.u32 $0x1F800, s13;
	s12 =	sshll.u32 s12, $0x11;
	s16 =	sand.u32 $0x3C00, s16  }
0x10: {  	[tilespmem:s15+$0x810 ss:$0x81] =	vst.msk $0xffff, v2;
	s31 =	sand.u32 $0x7, s13;
	s16 =	sor.u32 s17, s16;
	s17 =	sadd.s32 s3, s30  }
0x11: {  	[tilespmem:s15+$0x1020 ss:$0x81] =	vst.msk $0xffff, v0;
	s13 =	sshll.u32 s31, $0x12;
	s12 =	sadd.s32 s12, s17;
	s16 =	sshrl.u32 s16, $0x3  }
0x12: {  	[tilespmem:s15+$0x0 ss:$0x81] =	vst.msk $0xffff, v1;
	s13 =	sor.u32 $0x400, s13;
	s12 =	sadd.s32 s16, s12  }
0x13: {  	[hbm4b:s12+s13] =	stream.strided.scatter [tilespmem:s14], [sflag:$0x2], $0x2000, s8, s13, $0x20;
	[tilespmem:$0x8080] =	vst v63  }
.LBB1_5:
0x14: {  	s14 =	sadd.s32 $0x1, s9  }
0x15: {  	s12 =	sadd.s32 $0x1000, s10;
	s16 =	smov.u32 s10;
	p2 =	sgt.s32 s14, $0x31  }
0x16: {  	s16 =	smov.u32 @p2 s12  }
0x17: {  	s14 =	simm.s32 @p2 $0x0;
	p2 =	sgt.s32 s16, $0x3FFF  }
0x18: {  	s16 =	smov.u32 @p2 s2;
	p2 =	sne.s32 s11, s7  }
.Ltmp1:
0x19: {  	p1 =	slt.u32 s11, $0x2;
	(pc) =	sbr.rel @!p2 .LBB1_6-.Ltmp1, $4  }
0x1a: {  	s15 =	simm.s32 @!p1 $0x2  }
0x1b: {  	s13 =	smov.u32 s10;
	p0 =	por !p0, !p0;
	_ =	swait.ge @!p1 [sflag:s15], $0x2000  }
0x1c: {  	s12 =	smov.u32 s9;
	[sflag:s15] =	ssyncset.done @!p1 $0x0;
	s9 =	smov.u32 s14  }
0x1d: {  	s11 =	sadd.s32 $0x1, s11;
	[sflag:s15] =	ssyncadd.s32 @!p1 $0xFFFFE000;
	s10 =	smov.u32 s16  }
.LBB1_1:
0x1e: {  	p1 =	sge.u32 s11, s5  }
0x1f: {  	s14 =	sand.u32 @!p1 $0x1FFFFFF, s9  }
0x20: {  	s15 =	smulhi.u32 @!p1 $0x4924925, s14;
	_ =	sdelay $0x1  }
0x21: {  	s15 =	smul.u32 @!p1 $0x38, s15  }
0x22: {  	s16 =	sxor.u32 @!p1 $0xFFFFFFFF, s11;
	s17 =	smul.u32 @!p1 $0x380, s10  }
0x23: {  	s31 =	sadd.s32 $0xFFFFFFFF, s11;
	s16 =	sshll.u32 @!p1 s16, $0xD;
	s14 =	ssub.s32 @!p1 s14, s15  }
0x24: {  	s15 =	sand.u32 @!p1 $0x2000, s16;
	s16 =	sadd.s32 @!p1 s6, s17;
	s14 =	sshll.u32 @!p1 s14, $0x4  }
0x25: {  	s17 =	simm.s32 @!p1 $0x1C00;
	s14 =	sadd.s32 @!p1 s14, s16;
	s16 =	simm.s32 @!p1 $0x40  }
0x26: {  	[tilespmem:s15], [sflag:$0x1] =	stream.strided.gather @!p1 [hbm4b:s14+s16], $0x2000, s17, s16, $0x38;
	[tilespmem:$0x8080] =	vst v63  }
0x27: {  	p1 =	sge.u32 s31, s5  }
.Ltmp2:
0x28: {  	_ = 	snop;
	(pc) =	sbr.rel @p1 .LBB1_5-.Ltmp2, $1  }
0x29: {  	_ =	sdelay $0x3  }
0x2a: {  	s14 =	simm.s32 $0x1  }
0x2b: {  	_ =	swait.ge [sflag:s4], $0x2000;
	s14 =	simm.s32 @!p0 $0x0  }
0x2c: {  	[sflag:s4] =	ssyncset.done $0x0;
	s15 =	sshll.u32 s14, $0xD  }
0x2d: {  	[sflag:s4] =	ssyncadd.s32 $0xFFFFE000;
	s18 =	sor.u32 $0x20, s15  }
0x2e: {  	s14 =	smul.u32 $0x8100, s14;
	v3 =	vld [tilespmem:s18+$0x10]  }
0x2f: {  	s30 =	sand.u32 $0x1, s11;
	v2 =	vld [tilespmem:s18+$0xFFFFFFF0]  }
0x30: {  	s15 =	smul.u32 $0x8100, s30;
	s14 =	sshrl.u32 s14, $0x2;
	v0 =	vld [tilespmem:s18+$0x0]  }
0x31: {  	v1 =	vld [tilespmem:s18+$0xFFFFFFE0];
	s16 =	sor.u32 $0x4000, s14  }
0x32: {  	s31 =	sshrl.u32 s15, $0x2;
	s15 =	sadd.s32 $0x0, s16  }
0x33: {  	s17 =	simm.s32 $0x4;
	s18 =	sadd.s32 $0x40, s18;
	s14 =	sor.u32 $0x4000, s31;
	[tilespmem:s15+$0x1830 ss:$0x81] =	vst.msk $0xffff, v3  }
.LBB1_3:
0x34: {  	v3 =	vld [tilespmem:s18+$0x10];
	p1 =	sne.s32 s17, $0x1FC;
	[tilespmem:s15+$0x810 ss:$0x81] =	vst.msk $0xffff, v2;
	s19 =	smov.u32 s17;
	s17 =	sadd.s32 $0x4, s17  }
.Ltmp3:
0x35: {  	v2 =	vld [tilespmem:s18+$0xFFFFFFF0];
	[tilespmem:s15+$0x1020 ss:$0x81] =	vst.msk $0xffff, v0;
	(pc) =	sbr.rel @p1 .LBB1_3-.Ltmp3, $4  }
0x36: {  	v0 =	vld [tilespmem:s18+$0x0];
	[tilespmem:s15+$0x0 ss:$0x81] =	vst.msk $0xffff, v1  }
0x37: {  	s15 =	sshra.s32 s19, $0x2;
	v1 =	vld [tilespmem:s18+$0xFFFFFFE0]  }
0x38: {  	s15 =	sadd.s32 s15, s16  }
0x39: {  	s18 =	sadd.s32 $0x40, s18;
	[tilespmem:s15+$0x1830 ss:$0x81] =	vst.msk $0xffff, v3  }
.Ltmp4:
0x3a: {  	_ = 	snop;
	(pc) =	sbr.rel .LBB1_4-.Ltmp4, $1  }
0x3b: {  	_ =	sdelay $0x3  }
.LBB1_6:
0x3c: {  	_ =	sfence.sel $0x180000  }
0x3d: {  	s2 =	simm.s32 $0x1;
	[bflag:$0x0] =	sbarrier.arrive $0xFFFF  }
0x3e: {  	s31 =	simm.s32 $0x2;
	[sflag:s2] =	ssyncpa.u1 $0x1  }
0x3f: {  	[sflag:s31] =	ssyncpa.u1 $0x1  }
0x40: {  	p0 =	sne.s32 s0, $0x0;
	_ =	strace $0x9000004A  }
0x41: {  	s0 =	sadd.s32 @!p0 $0x100000, s1;
	[bflag:$0x2] =	sbarrier.arrive $0xFFFF  }
0x42: {  	[sflag:s0] =	ssyncadd.tile.s32 @!p0 $0x1;
	_ =	shalt  }
.Lfunc_end1:
_tile_overlayer_lowered:
.L_overlay_start_2:
0x43: {  	(tag) =	ssettag $0x2  }
0x44: {  	s0 =	rddreg [dreg:$0x0];
	s2 =	stileid.u32  }
0x45: {  	s1 =	rddreg [dreg:$0x1];
	p0 =	sne.s32 s2, $0x0  }
0x46: {  	s3 =	rddreg [dreg:$0x2];
	[bflag:$0x3] =	sbarrier.arrive $0xFFFF;
	s2 =	simm.s32 @!p0 $0x1C01  }
0x47: {  	[timem:s3], [sflag:s2] =	dma.local @!p0 [hbm:s0], s1  }
0x48: {  	s0 =	simm.s32 @!p0 $0x1  }
0x49: {  	_ =	swait.ge @!p0 [sflag:s0], s1  }
0x4a: {  	s1 =	ssub.s32 @!p0 $0x0, s1;
	[sflag:s0] =	ssyncset.done @!p0 $0x0  }
0x4b: {  	[sflag:s0] =	ssyncadd.s32 @!p0 s1  }
0x4c: {  	[bflag:$0x3] =	sbarrier.arrive $0xFFFF  }
0x4d: {  	_ =	shalt  }

</sc_bundles>
